<compile_context>
chip_gen: v7x
topology: tpu7x:2x2x1
jax: 0.10.2.dev20260603
libtpu: 0.0.44.dev20260713+nightly
codegen_flags: <defaults>
</compile_context>

<pallas_src>
import functools

import numpy as np
import jax
import jax.numpy as jnp
from jax import lax
from jax.experimental import pallas as pl
from jax.experimental.pallas import tpu as pltpu
from jax.experimental.pallas import tpu_sc as plsc

_N = 16384
_NUM_GROUPS = 16
_LANES = 16
_RECIP_BASE = _N + 1
_TABLE_LEN = 16416


def _const_table() -> np.ndarray:
    logs = np.log(np.arange(1, _N + 1, dtype=np.float64))
    t = np.zeros((_TABLE_LEN,), np.float64)
    t[1:_N + 1] = np.cumsum(logs)
    t[_RECIP_BASE:_RECIP_BASE + _NUM_GROUPS] = (
        1.0 / np.arange(1, _NUM_GROUPS + 1, dtype=np.float64))
    return t.astype(np.float32)


_LF_TABLE = _const_table()


@functools.partial(
    pl.kernel,
    mesh=plsc.VectorSubcoreMesh(core_axis_name="c", subcore_axis_name="s",
                                num_cores=1),
    out_type=jax.ShapeDtypeStruct((_LANES,), jnp.float32),
    compiler_params=pltpu.CompilerParams(needs_layout_passes=False),
    scratch_types=[
        pltpu.VMEM((_N,), jnp.int32),
        pltpu.VMEM((_TABLE_LEN,), jnp.float32),
        pltpu.VMEM((2 * _LANES,), jnp.int32),
        pltpu.VMEM((_LANES,), jnp.float32),
        pltpu.SemaphoreType.DMA,
        pltpu.SemaphoreType.DMA,
    ],
)
def _pl_listwise_loss(ids_hbm, lf_hbm, loss_hbm,
                      ids_v, lf_v, cnt2_v, outf_v, sem_i, sem_t):
    c = lax.axis_index("c")
    s = lax.axis_index("s")

    @pl.when((c == 0) & (s == 0))
    def _tile0():
        ids_copy = pltpu.async_copy(ids_hbm, ids_v, sem_i)
        lf_copy = pltpu.async_copy(lf_hbm, lf_v, sem_t)
        ids_copy.wait()

        lane = lax.iota(jnp.int32, _LANES)
        lo = jnp.zeros((_LANES,), jnp.int32)
        hi = jnp.full((_LANES,), _N, jnp.int32)
        for _ in range(14):
            mid = (lo + hi) >> 1
            probe = plsc.load_gather(ids_v, [mid])
            went_right = probe < lane
            lo = jnp.where(went_right, mid + 1, lo)
            hi = jnp.where(went_right, hi, mid)
        total = _N - lo

        cnt2_v[pl.ds(0, _LANES)] = total
        cnt2_v[pl.ds(_LANES, _LANES)] = jnp.zeros((_LANES,), jnp.int32)
        nxt = plsc.load_gather(cnt2_v, [lane + 1])
        n_vec = total - nxt

        lf_copy.wait()
        vals = plsc.load_gather(lf_v, [n_vec])
        tot = jnp.sum(vals)
        neg_g = jnp.sum((0 - n_vec) >> 31)
        idx = jnp.zeros((_LANES,), jnp.int32) + ((_RECIP_BASE - 1) - neg_g)
        recip = plsc.load_gather(lf_v, [idx])
        outf_v[...] = (jnp.zeros((_LANES,), jnp.float32) + tot) * recip
        pltpu.sync_copy(outf_v, loss_hbm)


def kernel(y_pred, y_true, group_ids):
    del y_pred, y_true
    loss = _pl_listwise_loss(group_ids, _LF_TABLE)
    return loss[0]

# --- scband reference (transcript-rebuilt; emitter-appended) ---
"""Pipeline reference for scband-listwise-regression-loss-57767310131696 (READ-ONLY COPY).

The authoritative reference and input builder live on the scoring server;
editing this copy changes nothing except your own understanding.
"""

import jax, jax.numpy as jnp
import numpy as np

TAU = 1.0
REDUCTION = 'mean'


def setup_inputs(seed: int = 0) -> dict:
    key = jax.random.key(seed)
    k1, k2, k3 = jax.random.split(key, 3)
    y_pred = jax.random.normal(k1, (16384,), dtype=jnp.float32)
    y_true = jax.random.normal(k2, (16384,), dtype=jnp.float32)
    group_ids = jnp.sort(jax.random.randint(k3, (16384,), 0, 16, dtype=jnp.int32))
    return {"y_pred": y_pred, "y_true": y_true, "group_ids": group_ids}


def reference(y_pred, y_true, group_ids):
    # Faithful translation of ListwiseRegressionLoss.forward (Plackett-Luce listwise loss).
    n_total = y_pred.shape[0]
    positions = jnp.arange(n_total)
    # For row i of the tril-masked constant-row logits matrix, logsumexp reduces to
    # a_i + log(i+1) in float32 (the -1e9 fill underflows exactly to 0 under exp,
    # and the sum of (i+1) exact ones is exact), so the diagonal log-prob is
    # a_i - (log(i+1) + a_i) with identical float32 operations.
    logcount = jnp.log((positions + 1).astype(jnp.float32))
    loss = jnp.asarray(0.0, dtype=jnp.float32)
    num_groups = jnp.asarray(0.0, dtype=jnp.float32)
    for g in range(16):
        mask = group_ids == g
        n = jnp.sum(mask)
        # Stable argsort on the masked key sorts this group's elements by
        # descending y_true (ties by position) into a contiguous prefix,
        # matching jnp.argsort(-y_group) on the extracted subvector.
        key_vals = jnp.where(mask, -y_true, jnp.inf)
        perm = jnp.argsort(key_vals)
        s_sorted = y_pred[perm]
        a = s_sorted / TAU
        valid = positions < n
        lp = a - (logcount + a)
        group_loss = -jnp.sum(jnp.where(valid, lp, jnp.float32(0.0)))
        loss = loss + jnp.where(n > 0, group_loss, jnp.float32(0.0))
        num_groups = num_groups + jnp.where(n > 0, jnp.float32(1.0), jnp.float32(0.0))
    if REDUCTION == 'mean':
        return loss / num_groups
    return loss


if False:  # reference __main__ guard neutralized (emitter)
    inp = setup_inputs()
    out = reference(**inp)
    print(out)

if __name__ == "__main__":
    import jax
    _d = setup_inputs()
    print(jax.jit(kernel)(*tuple(_d.values())))

</pallas_src>

<mosaic_0001>
#map = affine_map<(d0, d1) -> (0)>
module attributes {stable_mosaic.version = 14 : i64} {
  func.func @_pl_listwise_loss(%arg0: i32, %arg1: i32, %arg2: memref<16384xi32, #tpu.memory_space<hbm>>, %arg3: memref<16416xf32, #tpu.memory_space<hbm>>, %arg4: memref<16xf32, #tpu.memory_space<hbm>>, %arg5: memref<16384xi32, #tpu.memory_space<vmem>>, %arg6: memref<16416xf32, #tpu.memory_space<vmem>>, %arg7: memref<32xi32, #tpu.memory_space<vmem>>, %arg8: memref<16xf32, #tpu.memory_space<vmem>>, %arg9: memref<!tpu.dma_semaphore, #tpu.memory_space<semaphore_mem>>, %arg10: memref<!tpu.dma_semaphore, #tpu.memory_space<semaphore_mem>>) attributes {dimension_semantics = [#tpu.dimension_semantics<core_parallel>, #tpu.dimension_semantics<subcore_parallel>], iteration_bounds = array<i64: 1, 16>, scalar_prefetch = 0 : i64, scratch_operands = 6 : i64, tpu.core_type = #tpu.core_type<sc_vector_subcore>, window_params = [{transform_indices = #map}, {transform_indices = #map}, {transform_indices = #map}]} {
    %eq3A = arith.constant 0 : i32
    %eq3A_0 = arith.cmpi eq, %arg0, %eq3A : i32
    %eq3A_1 = arith.constant 0 : i32
    %eq3A_2 = arith.cmpi eq, %arg1, %eq3A_1 : i32
    %and3A = arith.andi %eq3A_0, %eq3A_2 : i1
    %convert_element_type3A = arith.extui %and3A : i1 to i32
    %cond3A = arith.constant 0 : i32
    %cond3A_3 = arith.cmpi ne, %convert_element_type3A, %cond3A : i32
    scf.if %cond3A_3 {
      tpu.enqueue_dma source(%arg2 : memref<16384xi32, #tpu.memory_space<hbm>>) target(%arg5 : memref<16384xi32, #tpu.memory_space<vmem>>) target_semaphore(%arg9 : memref<!tpu.dma_semaphore, #tpu.memory_space<semaphore_mem>>)
      tpu.enqueue_dma source(%arg3 : memref<16416xf32, #tpu.memory_space<hbm>>) target(%arg6 : memref<16416xf32, #tpu.memory_space<vmem>>) target_semaphore(%arg10 : memref<!tpu.dma_semaphore, #tpu.memory_space<semaphore_mem>>)
      tpu.wait_dma2 semaphore(%arg9 : memref<!tpu.dma_semaphore, #tpu.memory_space<semaphore_mem>>) src(%arg2 : memref<16384xi32, #tpu.memory_space<hbm>>) dst(%arg5 : memref<16384xi32, #tpu.memory_space<vmem>>)
      %iota3A = tpu.iota {dimensions = array<i32: 0>} : vector<16xi32>
      %broadcast_in_dim3A = arith.constant 0 : i32
      %broadcast_in_dim3A_4 = vector.broadcast %broadcast_in_dim3A : i32 to vector<16xi32>
      %broadcast_in_dim3A_5 = arith.constant 16384 : i32
      %broadcast_in_dim3A_6 = vector.broadcast %broadcast_in_dim3A_5 : i32 to vector<16xi32>
      %add3A = arith.addi %broadcast_in_dim3A_4, %broadcast_in_dim3A_6 : vector<16xi32>
      %shift_right_arithmetic3A = arith.constant 1 : i32
      %shift_right_arithmetic3A_7 = vector.broadcast %shift_right_arithmetic3A : i32 to vector<16xi32>
      %shift_right_arithmetic3A_8 = arith.shrsi %add3A, %shift_right_arithmetic3A_7 : vector<16xi32>
      %gather3A = tpu.vector_load_idx %arg5[%shift_right_arithmetic3A_8] : memref<16384xi32, #tpu.memory_space<vmem>>[vector<16xi32>], vector<16xi32>,
      %lt3A = arith.cmpi slt, %gather3A, %iota3A : vector<16xi32>
      %add3A_9 = arith.constant 1 : i32
      %add3A_10 = vector.broadcast %add3A_9 : i32 to vector<16xi32>
      %add3A_11 = arith.addi %shift_right_arithmetic3A_8, %add3A_10 : vector<16xi32>
      %select_n3A = arith.select %lt3A, %add3A_11, %broadcast_in_dim3A_4 : vector<16xi1>, vector<16xi32>
      %select_n3A_12 = arith.select %lt3A, %broadcast_in_dim3A_6, %shift_right_arithmetic3A_8 : vector<16xi1>, vector<16xi32>
      %add3A_13 = arith.addi %select_n3A, %select_n3A_12 : vector<16xi32>
      %shift_right_arithmetic3A_14 = arith.constant 1 : i32
      %shift_right_arithmetic3A_15 = vector.broadcast %shift_right_arithmetic3A_14 : i32 to vector<16xi32>
      %shift_right_arithmetic3A_16 = arith.shrsi %add3A_13, %shift_right_arithmetic3A_15 : vector<16xi32>
      %gather3A_17 = tpu.vector_load_idx %arg5[%shift_right_arithmetic3A_16] : memref<16384xi32, #tpu.memory_space<vmem>>[vector<16xi32>], vector<16xi32>,
      %lt3A_18 = arith.cmpi slt, %gather3A_17, %iota3A : vector<16xi32>
      %add3A_19 = arith.constant 1 : i32
      %add3A_20 = vector.broadcast %add3A_19 : i32 to vector<16xi32>
      %add3A_21 = arith.addi %shift_right_arithmetic3A_16, %add3A_20 : vector<16xi32>
      %select_n3A_22 = arith.select %lt3A_18, %add3A_21, %select_n3A : vector<16xi1>, vector<16xi32>
      %select_n3A_23 = arith.select %lt3A_18, %select_n3A_12, %shift_right_arithmetic3A_16 : vector<16xi1>, vector<16xi32>
      %add3A_24 = arith.addi %select_n3A_22, %select_n3A_23 : vector<16xi32>
      %shift_right_arithmetic3A_25 = arith.constant 1 : i32
      %shift_right_arithmetic3A_26 = vector.broadcast %shift_right_arithmetic3A_25 : i32 to vector<16xi32>
      %shift_right_arithmetic3A_27 = arith.shrsi %add3A_24, %shift_right_arithmetic3A_26 : vector<16xi32>
      %gather3A_28 = tpu.vector_load_idx %arg5[%shift_right_arithmetic3A_27] : memref<16384xi32, #tpu.memory_space<vmem>>[vector<16xi32>], vector<16xi32>,
      %lt3A_29 = arith.cmpi slt, %gather3A_28, %iota3A : vector<16xi32>
      %add3A_30 = arith.constant 1 : i32
      %add3A_31 = vector.broadcast %add3A_30 : i32 to vector<16xi32>
      %add3A_32 = arith.addi %shift_right_arithmetic3A_27, %add3A_31 : vector<16xi32>
      %select_n3A_33 = arith.select %lt3A_29, %add3A_32, %select_n3A_22 : vector<16xi1>, vector<16xi32>
      %select_n3A_34 = arith.select %lt3A_29, %select_n3A_23, %shift_right_arithmetic3A_27 : vector<16xi1>, vector<16xi32>
      %add3A_35 = arith.addi %select_n3A_33, %select_n3A_34 : vector<16xi32>
      %shift_right_arithmetic3A_36 = arith.constant 1 : i32
      %shift_right_arithmetic3A_37 = vector.broadcast %shift_right_arithmetic3A_36 : i32 to vector<16xi32>
      %shift_right_arithmetic3A_38 = arith.shrsi %add3A_35, %shift_right_arithmetic3A_37 : vector<16xi32>
      %gather3A_39 = tpu.vector_load_idx %arg5[%shift_right_arithmetic3A_38] : memref<16384xi32, #tpu.memory_space<vmem>>[vector<16xi32>], vector<16xi32>,
      %lt3A_40 = arith.cmpi slt, %gather3A_39, %iota3A : vector<16xi32>
      %add3A_41 = arith.constant 1 : i32
      %add3A_42 = vector.broadcast %add3A_41 : i32 to vector<16xi32>
      %add3A_43 = arith.addi %shift_right_arithmetic3A_38, %add3A_42 : vector<16xi32>
      %select_n3A_44 = arith.select %lt3A_40, %add3A_43, %select_n3A_33 : vector<16xi1>, vector<16xi32>
      %select_n3A_45 = arith.select %lt3A_40, %select_n3A_34, %shift_right_arithmetic3A_38 : vector<16xi1>, vector<16xi32>
      %add3A_46 = arith.addi %select_n3A_44, %select_n3A_45 : vector<16xi32>
      %shift_right_arithmetic3A_47 = arith.constant 1 : i32
      %shift_right_arithmetic3A_48 = vector.broadcast %shift_right_arithmetic3A_47 : i32 to vector<16xi32>
      %shift_right_arithmetic3A_49 = arith.shrsi %add3A_46, %shift_right_arithmetic3A_48 : vector<16xi32>
      %gather3A_50 = tpu.vector_load_idx %arg5[%shift_right_arithmetic3A_49] : memref<16384xi32, #tpu.memory_space<vmem>>[vector<16xi32>], vector<16xi32>,
      %lt3A_51 = arith.cmpi slt, %gather3A_50, %iota3A : vector<16xi32>
      %add3A_52 = arith.constant 1 : i32
      %add3A_53 = vector.broadcast %add3A_52 : i32 to vector<16xi32>
      %add3A_54 = arith.addi %shift_right_arithmetic3A_49, %add3A_53 : vector<16xi32>
      %select_n3A_55 = arith.select %lt3A_51, %add3A_54, %select_n3A_44 : vector<16xi1>, vector<16xi32>
      %select_n3A_56 = arith.select %lt3A_51, %select_n3A_45, %shift_right_arithmetic3A_49 : vector<16xi1>, vector<16xi32>
      %add3A_57 = arith.addi %select_n3A_55, %select_n3A_56 : vector<16xi32>
      %shift_right_arithmetic3A_58 = arith.constant 1 : i32
      %shift_right_arithmetic3A_59 = vector.broadcast %shift_right_arithmetic3A_58 : i32 to vector<16xi32>
      %shift_right_arithmetic3A_60 = arith.shrsi %add3A_57, %shift_right_arithmetic3A_59 : vector<16xi32>
      %gather3A_61 = tpu.vector_load_idx %arg5[%shift_right_arithmetic3A_60] : memref<16384xi32, #tpu.memory_space<vmem>>[vector<16xi32>], vector<16xi32>,
      %lt3A_62 = arith.cmpi slt, %gather3A_61, %iota3A : vector<16xi32>
      %add3A_63 = arith.constant 1 : i32
      %add3A_64 = vector.broadcast %add3A_63 : i32 to vector<16xi32>
      %add3A_65 = arith.addi %shift_right_arithmetic3A_60, %add3A_64 : vector<16xi32>
      %select_n3A_66 = arith.select %lt3A_62, %add3A_65, %select_n3A_55 : vector<16xi1>, vector<16xi32>
      %select_n3A_67 = arith.select %lt3A_62, %select_n3A_56, %shift_right_arithmetic3A_60 : vector<16xi1>, vector<16xi32>
      %add3A_68 = arith.addi %select_n3A_66, %select_n3A_67 : vector<16xi32>
      %shift_right_arithmetic3A_69 = arith.constant 1 : i32
      %shift_right_arithmetic3A_70 = vector.broadcast %shift_right_arithmetic3A_69 : i32 to vector<16xi32>
      %shift_right_arithmetic3A_71 = arith.shrsi %add3A_68, %shift_right_arithmetic3A_70 : vector<16xi32>
      %gather3A_72 = tpu.vector_load_idx %arg5[%shift_right_arithmetic3A_71] : memref<16384xi32, #tpu.memory_space<vmem>>[vector<16xi32>], vector<16xi32>,
      %lt3A_73 = arith.cmpi slt, %gather3A_72, %iota3A : vector<16xi32>
      %add3A_74 = arith.constant 1 : i32
      %add3A_75 = vector.broadcast %add3A_74 : i32 to vector<16xi32>
      %add3A_76 = arith.addi %shift_right_arithmetic3A_71, %add3A_75 : vector<16xi32>
      %select_n3A_77 = arith.select %lt3A_73, %add3A_76, %select_n3A_66 : vector<16xi1>, vector<16xi32>
      %select_n3A_78 = arith.select %lt3A_73, %select_n3A_67, %shift_right_arithmetic3A_71 : vector<16xi1>, vector<16xi32>
      %add3A_79 = arith.addi %select_n3A_77, %select_n3A_78 : vector<16xi32>
      %shift_right_arithmetic3A_80 = arith.constant 1 : i32
      %shift_right_arithmetic3A_81 = vector.broadcast %shift_right_arithmetic3A_80 : i32 to vector<16xi32>
      %shift_right_arithmetic3A_82 = arith.shrsi %add3A_79, %shift_right_arithmetic3A_81 : vector<16xi32>
      %gather3A_83 = tpu.vector_load_idx %arg5[%shift_right_arithmetic3A_82] : memref<16384xi32, #tpu.memory_space<vmem>>[vector<16xi32>], vector<16xi32>,
      %lt3A_84 = arith.cmpi slt, %gather3A_83, %iota3A : vector<16xi32>
      %add3A_85 = arith.constant 1 : i32
      %add3A_86 = vector.broadcast %add3A_85 : i32 to vector<16xi32>
      %add3A_87 = arith.addi %shift_right_arithmetic3A_82, %add3A_86 : vector<16xi32>
      %select_n3A_88 = arith.select %lt3A_84, %add3A_87, %select_n3A_77 : vector<16xi1>, vector<16xi32>
      %select_n3A_89 = arith.select %lt3A_84, %select_n3A_78, %shift_right_arithmetic3A_82 : vector<16xi1>, vector<16xi32>
      %add3A_90 = arith.addi %select_n3A_88, %select_n3A_89 : vector<16xi32>
      %shift_right_arithmetic3A_91 = arith.constant 1 : i32
      %shift_right_arithmetic3A_92 = vector.broadcast %shift_right_arithmetic3A_91 : i32 to vector<16xi32>
      %shift_right_arithmetic3A_93 = arith.shrsi %add3A_90, %shift_right_arithmetic3A_92 : vector<16xi32>
      %gather3A_94 = tpu.vector_load_idx %arg5[%shift_right_arithmetic3A_93] : memref<16384xi32, #tpu.memory_space<vmem>>[vector<16xi32>], vector<16xi32>,
      %lt3A_95 = arith.cmpi slt, %gather3A_94, %iota3A : vector<16xi32>
      %add3A_96 = arith.constant 1 : i32
      %add3A_97 = vector.broadcast %add3A_96 : i32 to vector<16xi32>
      %add3A_98 = arith.addi %shift_right_arithmetic3A_93, %add3A_97 : vector<16xi32>
      %select_n3A_99 = arith.select %lt3A_95, %add3A_98, %select_n3A_88 : vector<16xi1>, vector<16xi32>
      %select_n3A_100 = arith.select %lt3A_95, %select_n3A_89, %shift_right_arithmetic3A_93 : vector<16xi1>, vector<16xi32>
      %add3A_101 = arith.addi %select_n3A_99, %select_n3A_100 : vector<16xi32>
      %shift_right_arithmetic3A_102 = arith.constant 1 : i32
      %shift_right_arithmetic3A_103 = vector.broadcast %shift_right_arithmetic3A_102 : i32 to vector<16xi32>
      %shift_right_arithmetic3A_104 = arith.shrsi %add3A_101, %shift_right_arithmetic3A_103 : vector<16xi32>
      %gather3A_105 = tpu.vector_load_idx %arg5[%shift_right_arithmetic3A_104] : memref<16384xi32, #tpu.memory_space<vmem>>[vector<16xi32>], vector<16xi32>,
      %lt3A_106 = arith.cmpi slt, %gather3A_105, %iota3A : vector<16xi32>
      %add3A_107 = arith.constant 1 : i32
      %add3A_108 = vector.broadcast %add3A_107 : i32 to vector<16xi32>
      %add3A_109 = arith.addi %shift_right_arithmetic3A_104, %add3A_108 : vector<16xi32>
      %select_n3A_110 = arith.select %lt3A_106, %add3A_109, %select_n3A_99 : vector<16xi1>, vector<16xi32>
      %select_n3A_111 = arith.select %lt3A_106, %select_n3A_100, %shift_right_arithmetic3A_104 : vector<16xi1>, vector<16xi32>
      %add3A_112 = arith.addi %select_n3A_110, %select_n3A_111 : vector<16xi32>
      %shift_right_arithmetic3A_113 = arith.constant 1 : i32
      %shift_right_arithmetic3A_114 = vector.broadcast %shift_right_arithmetic3A_113 : i32 to vector<16xi32>
      %shift_right_arithmetic3A_115 = arith.shrsi %add3A_112, %shift_right_arithmetic3A_114 : vector<16xi32>
      %gather3A_116 = tpu.vector_load_idx %arg5[%shift_right_arithmetic3A_115] : memref<16384xi32, #tpu.memory_space<vmem>>[vector<16xi32>], vector<16xi32>,
      %lt3A_117 = arith.cmpi slt, %gather3A_116, %iota3A : vector<16xi32>
      %add3A_118 = arith.constant 1 : i32
      %add3A_119 = vector.broadcast %add3A_118 : i32 to vector<16xi32>
      %add3A_120 = arith.addi %shift_right_arithmetic3A_115, %add3A_119 : vector<16xi32>
      %select_n3A_121 = arith.select %lt3A_117, %add3A_120, %select_n3A_110 : vector<16xi1>, vector<16xi32>
      %select_n3A_122 = arith.select %lt3A_117, %select_n3A_111, %shift_right_arithmetic3A_115 : vector<16xi1>, vector<16xi32>
      %add3A_123 = arith.addi %select_n3A_121, %select_n3A_122 : vector<16xi32>
      %shift_right_arithmetic3A_124 = arith.constant 1 : i32
      %shift_right_arithmetic3A_125 = vector.broadcast %shift_right_arithmetic3A_124 : i32 to vector<16xi32>
      %shift_right_arithmetic3A_126 = arith.shrsi %add3A_123, %shift_right_arithmetic3A_125 : vector<16xi32>
      %gather3A_127 = tpu.vector_load_idx %arg5[%shift_right_arithmetic3A_126] : memref<16384xi32, #tpu.memory_space<vmem>>[vector<16xi32>], vector<16xi32>,
      %lt3A_128 = arith.cmpi slt, %gather3A_127, %iota3A : vector<16xi32>
      %add3A_129 = arith.constant 1 : i32
      %add3A_130 = vector.broadcast %add3A_129 : i32 to vector<16xi32>
      %add3A_131 = arith.addi %shift_right_arithmetic3A_126, %add3A_130 : vector<16xi32>
      %select_n3A_132 = arith.select %lt3A_128, %add3A_131, %select_n3A_121 : vector<16xi1>, vector<16xi32>
      %select_n3A_133 = arith.select %lt3A_128, %select_n3A_122, %shift_right_arithmetic3A_126 : vector<16xi1>, vector<16xi32>
      %add3A_134 = arith.addi %select_n3A_132, %select_n3A_133 : vector<16xi32>
      %shift_right_arithmetic3A_135 = arith.constant 1 : i32
      %shift_right_arithmetic3A_136 = vector.broadcast %shift_right_arithmetic3A_135 : i32 to vector<16xi32>
      %shift_right_arithmetic3A_137 = arith.shrsi %add3A_134, %shift_right_arithmetic3A_136 : vector<16xi32>
      %gather3A_138 = tpu.vector_load_idx %arg5[%shift_right_arithmetic3A_137] : memref<16384xi32, #tpu.memory_space<vmem>>[vector<16xi32>], vector<16xi32>,
      %lt3A_139 = arith.cmpi slt, %gather3A_138, %iota3A : vector<16xi32>
      %add3A_140 = arith.constant 1 : i32
      %add3A_141 = vector.broadcast %add3A_140 : i32 to vector<16xi32>
      %add3A_142 = arith.addi %shift_right_arithmetic3A_137, %add3A_141 : vector<16xi32>
      %select_n3A_143 = arith.select %lt3A_139, %add3A_142, %select_n3A_132 : vector<16xi1>, vector<16xi32>
      %select_n3A_144 = arith.select %lt3A_139, %select_n3A_133, %shift_right_arithmetic3A_137 : vector<16xi1>, vector<16xi32>
      %add3A_145 = arith.addi %select_n3A_143, %select_n3A_144 : vector<16xi32>
      %shift_right_arithmetic3A_146 = arith.constant 1 : i32
      %shift_right_arithmetic3A_147 = vector.broadcast %shift_right_arithmetic3A_146 : i32 to vector<16xi32>
      %shift_right_arithmetic3A_148 = arith.shrsi %add3A_145, %shift_right_arithmetic3A_147 : vector<16xi32>
      %gather3A_149 = tpu.vector_load_idx %arg5[%shift_right_arithmetic3A_148] : memref<16384xi32, #tpu.memory_space<vmem>>[vector<16xi32>], vector<16xi32>,
      %lt3A_150 = arith.cmpi slt, %gather3A_149, %iota3A : vector<16xi32>
      %add3A_151 = arith.constant 1 : i32
      %add3A_152 = vector.broadcast %add3A_151 : i32 to vector<16xi32>
      %add3A_153 = arith.addi %shift_right_arithmetic3A_148, %add3A_152 : vector<16xi32>
      %select_n3A_154 = arith.select %lt3A_150, %add3A_153, %select_n3A_143 : vector<16xi1>, vector<16xi32>
      %select_n3A_155 = arith.select %lt3A_150, %select_n3A_144, %shift_right_arithmetic3A_148 : vector<16xi1>, vector<16xi32>
      %sub3A = arith.constant 16384 : i32
      %sub3A_156 = vector.broadcast %sub3A : i32 to vector<16xi32>
      %sub3A_157 = arith.subi %sub3A_156, %select_n3A_154 : vector<16xi32>
      %swap3A = arith.constant 0 : index
      %swap3A_158 = tpu.vector_load %arg7[%swap3A] {strides = array<i32>} : memref<32xi32, #tpu.memory_space<vmem>>, vector<16xi32>,
      tpu.vector_store %arg7[%swap3A], %sub3A_157 {strides = array<i32>} : memref<32xi32, #tpu.memory_space<vmem>>, vector<16xi32>,
      %broadcast_in_dim3A_159 = arith.constant 0 : i32
      %broadcast_in_dim3A_160 = vector.broadcast %broadcast_in_dim3A_159 : i32 to vector<16xi32>
      %swap3A_161 = arith.constant 16 : index
      %swap3A_162 = tpu.vector_load %arg7[%swap3A_161] {strides = array<i32>} : memref<32xi32, #tpu.memory_space<vmem>>, vector<16xi32>,
      tpu.vector_store %arg7[%swap3A_161], %broadcast_in_dim3A_160 {strides = array<i32>} : memref<32xi32, #tpu.memory_space<vmem>>, vector<16xi32>,
      %add3A_163 = arith.constant 1 : i32
      %add3A_164 = vector.broadcast %add3A_163 : i32 to vector<16xi32>
      %add3A_165 = arith.addi %iota3A, %add3A_164 : vector<16xi32>
      %gather3A_166 = tpu.vector_load_idx %arg7[%add3A_165] : memref<32xi32, #tpu.memory_space<vmem>>[vector<16xi32>], vector<16xi32>,
      %sub3A_167 = arith.subi %sub3A_157, %gather3A_166 : vector<16xi32>
      tpu.wait_dma2 semaphore(%arg10 : memref<!tpu.dma_semaphore, #tpu.memory_space<semaphore_mem>>) src(%arg3 : memref<16416xf32, #tpu.memory_space<hbm>>) dst(%arg6 : memref<16416xf32, #tpu.memory_space<vmem>>)
      %gather3A_168 = tpu.vector_load_idx %arg6[%sub3A_167] : memref<16416xf32, #tpu.memory_space<vmem>>[vector<16xi32>], vector<16xf32>,
      %reduce_sum3A = arith.constant true
      %reduce_sum3A_169 = vector.broadcast %reduce_sum3A : i1 to vector<16xi1>
      %reduce_sum3A_170 = tpu.scan <sum>, %gather3A_168 masked %reduce_sum3A_169 : vector<16xf32>, vector<16xi1> -> vector<16xf32>
      %reduce_sum3A_171 = vector.extract %reduce_sum3A_170[15] : f32 from vector<16xf32>
      %sub3A_172 = arith.constant 0 : i32
      %sub3A_173 = vector.broadcast %sub3A_172 : i32 to vector<16xi32>
      %sub3A_174 = arith.subi %sub3A_173, %sub3A_167 : vector<16xi32>
      %shift_right_arithmetic3A_175 = arith.constant 31 : i32
      %shift_right_arithmetic3A_176 = vector.broadcast %shift_right_arithmetic3A_175 : i32 to vector<16xi32>
      %shift_right_arithmetic3A_177 = arith.shrsi %sub3A_174, %shift_right_arithmetic3A_176 : vector<16xi32>
      %reduce_sum3A_178 = arith.constant true
      %reduce_sum3A_179 = vector.broadcast %reduce_sum3A_178 : i1 to vector<16xi1>
      %reduce_sum3A_180 = tpu.scan <sum>, %shift_right_arithmetic3A_177 masked %reduce_sum3A_179 : vector<16xi32>, vector<16xi1> -> vector<16xi32>
      %reduce_sum3A_181 = vector.extract %reduce_sum3A_180[15] : i32 from vector<16xi32>
      %broadcast_in_dim3A_182 = arith.constant 0 : i32
      %broadcast_in_dim3A_183 = vector.broadcast %broadcast_in_dim3A_182 : i32 to vector<16xi32>
      %sub3A_184 = arith.constant 16384 : i32
      %sub3A_185 = arith.subi %sub3A_184, %reduce_sum3A_181 : i32
      %add3A_186 = vector.broadcast %sub3A_185 : i32 to vector<16xi32>
      %add3A_187 = arith.addi %broadcast_in_dim3A_183, %add3A_186 : vector<16xi32>
      %gather3A_188 = tpu.vector_load_idx %arg6[%add3A_187] : memref<16416xf32, #tpu.memory_space<vmem>>[vector<16xi32>], vector<16xf32>,
      %broadcast_in_dim3A_189 = arith.constant 0.000000e+00 : f32
      %broadcast_in_dim3A_190 = vector.broadcast %broadcast_in_dim3A_189 : f32 to vector<16xf32>
      %add3A_191 = vector.broadcast %reduce_sum3A_171 : f32 to vector<16xf32>
      %add3A_192 = arith.addf %broadcast_in_dim3A_190, %add3A_191 : vector<16xf32>
      %mul3A = arith.mulf %add3A_192, %gather3A_188 : vector<16xf32>
      %swap3A_193 = arith.constant 0 : index
      %swap3A_194 = tpu.vector_load %arg8[%swap3A_193] {strides = array<i32>} : memref<16xf32, #tpu.memory_space<vmem>>, vector<16xf32>,
      tpu.vector_store %arg8[%swap3A_193], %mul3A {strides = array<i32>} : memref<16xf32, #tpu.memory_space<vmem>>, vector<16xf32>,
      "tpu.region"() ({
        %run_scoped3A = tpu.sem_alloc : memref<!tpu.dma_semaphore, #tpu.memory_space<semaphore_mem>>
        tpu.enqueue_dma source(%arg8 : memref<16xf32, #tpu.memory_space<vmem>>) target(%arg4 : memref<16xf32, #tpu.memory_space<hbm>>) target_semaphore(%run_scoped3A : memref<!tpu.dma_semaphore, #tpu.memory_space<semaphore_mem>>)
        tpu.wait_dma2 semaphore(%run_scoped3A : memref<!tpu.dma_semaphore, #tpu.memory_space<semaphore_mem>>) src(%arg8 : memref<16xf32, #tpu.memory_space<vmem>>) dst(%arg4 : memref<16xf32, #tpu.memory_space<hbm>>)
        tpu.yield
      }) : () -> ()
    } else {
    }
    return
  }
}

</mosaic_0001>

<sc_bundles>
// kernel: kernel.3.cloned.1.call-start
scs
__scs_entry_jumppad:
0x0: {  	(pc) =	sbr.rel $0x88, $3  }
0x1: {  	(tag) =	ssettag $0x0;
	lr =	simm.s32 $0x1  }
0x2: {  	[smem:$0x3FA0] =	sst lr;
	_ =	strace $0xD0000000  }
0x3: {  	_ = 	snop  }
0x4: {  	_ = 	snop  }
0x5: {  	_ = 	snop  }
0x6: {  	_ = 	snop  }
0x7: {  	_ = 	snop  }
__scs_overlays_trampoline_lowered:
0x8: {  	[smem:$0x3FAF] =	sst s0  }
0x9: {  	[smem:$0x3FB0] =	sst s1  }
0xa: {  	[smem:$0x3FB1] =	sst s2  }
0xb: {  	[smem:$0x3FB2] =	sst s3  }
0xc: {  	[smem:$0x3FB3] =	sst s4  }
0xd: {  	[smem:$0x3FB4] =	sst s5  }
0xe: {  	[smem:$0x3FB5] =	sst s6  }
0xf: {  	[smem:$0x3FB6] =	sst s7  }
0x10: {  	[smem:$0x3FB7] =	sst s8  }
0x11: {  	[smem:$0x3FB8] =	sst s9;
	s0 =	simm.s32 @!p0 $0x0  }
0x12: {  	s1 =	sld [smem:$0x3F9E];
	s0 =	simm.s32 @p0 $0x1  }
0x13: {  	[smem:$0x3FB9] =	sst s0;
	s0 =	simm.s32 @!p1 $0x0  }
0x14: {  	s2 =	sld [smem:$0x3F9D];
	s0 =	simm.s32 @p1 $0x1  }
0x15: {  	[smem:$0x3FBA] =	sst s0;
	s0 =	simm.s32 @!p2 $0x0  }
0x16: {  	s3 =	sld [smem:$0x3FDB];
	s0 =	simm.s32 @p2 $0x1  }
0x17: {  	s4 =	simm.s32 $0x1BF5;
	[smem:$0x3FBC] =	sst s0  }
0x18: {  	s0 =	sld [smem:$0x3F9F];
	_ =	swait.ge [sflag:s4], $0x0  }
0x19: {  	s7 =	sld [smem:$0x3FA0]  }
0x1a: {  	s8 =	sadd.s32 $0xFFFFE003, lr  }
0x1b: {  	s9 =	sadd.s32 $0xFFFFFEF7, lr;
	s5 =	simm.s32 $0xFFFFFFFF;
	p2 =	slt.u32 s8, $0xFFFFF086  }
0x1c: {  	p1 =	slt.u32 s9, $0xF7A;
	s5 =	simm.s32 @!p2 $0x0  }
0x1d: {  	s5 =	simm.s32 @p1 $0x1;
	p0 =	seq.s32 s7, s2  }
0x1e: {  	s7 =	smul.u32 @!p0 $0xF7A, s2;
	p2 =	seq.s32 @!p0 s5, $0x0  }
0x1f: {  	s9 =	smul.u32 $0xF7A, s1;
	s8 =	simm.s32 @!p0 $0x1BF5;
	p2 =	por !p2, p0  }
0x20: {  	[sflag:s8] =	ssyncset.s32 @!p0 $0xFFFFF086;
	s6 =	sadd.s32 @!p0 s3, s7;
	s7 =	simm.s32 @!p0 $0x108  }
0x21: {  	s3 =	sadd.s32 s3, s9;
	s6 =	sadd.s32 @!p0 $0x88, s6;
	s7 =	simm.s32 @p2 $0x1082  }
0x22: {  	[simem:s7], [sflag:s8] =	dma.local @!p0 [hbm:s6], $0xF7A  }
0x23: {  	s9 =	sor.u32 $0xD0000000, s2;
	s6 =	simm.s32 $0x108;
	_ =	swait.ge @!p0 [sflag:s8], $0x0  }
0x24: {  	s3 =	sadd.s32 $0x88, s3;
	s6 =	simm.s32 @!p1 $0x1082;
	[sflag:s4] =	ssyncset.s32 $0xFFFFF086  }
0x25: {  	[simem:s6], [sflag:s4] =	dma.local [hbm:s3], $0xF7A  }
0x26: {  	[smem:$0x3FA0] =	sst s1;
	(tag) =	ssettag s2;
	_ =	strace s9  }
0x27: {  	s1 =	sld [smem:$0x3FB0]  }
0x28: {  	s2 =	sld [smem:$0x3FB1]  }
0x29: {  	s4 =	sld [smem:$0x3FB3]  }
0x2a: {  	p0 =	seq.s32 s5, $0x0;
	s5 =	sld [smem:$0x3FB4]  }
0x2b: {  	s6 =	sld [smem:$0x3FB5]  }
0x2c: {  	s7 =	sld [smem:$0x3FB6]  }
0x2d: {  	s3 =	simm.s32 $0x108;
	s8 =	sld [smem:$0x3FB7]  }
0x2e: {  	s3 =	simm.s32 @!p0 $0x1082;
	s9 =	sld [smem:$0x3FB8]  }
0x2f: {  	lr =	sadd.s32 s0, s3;
	s0 =	sld [smem:$0x3FAF]  }
0x30: {  	s3 =	sld [smem:$0x3FB2]  }
0x31: {  	[smem:$0x3FBB] =	sst s10  }
0x32: {  	s10 =	sld [smem:$0x3FB9];
	_ =	sdelay $0x3  }
0x33: {  	p0 =	seq.s32 s10, $0x1;
	s10 =	sld [smem:$0x3FBB];
	_ =	sdelay $0x3  }
0x34: {  	[smem:$0x3FBB] =	sst s10  }
0x35: {  	s10 =	sld [smem:$0x3FBA];
	_ =	sdelay $0x3  }
0x36: {  	p1 =	seq.s32 s10, $0x1;
	s10 =	sld [smem:$0x3FBB];
	_ =	sdelay $0x3  }
0x37: {  	[smem:$0x3FBB] =	sst s10  }
0x38: {  	s10 =	sld [smem:$0x3FBC]  }
0x39: {  	_ = 	snop;
	(pc) =	sbr.ind lr, $3  }
0x3a: {  	_ = 	snop  }
0x3b: {  	_ = 	snop  }
0x3c: {  	p2 =	seq.s32 s10, $0x1;
	s10 =	sld [smem:$0x3FBB]  }
0x3d: {  	_ =	shalt  }
0x3e: {  	_ =	shalt  }
0x3f: {  	_ =	shalt  }
0x40: {  	_ =	shalt  }
0x41: {  	_ =	shalt  }
0x42: {  	_ =	shalt  }
0x43: {  	_ =	shalt  }
0x44: {  	_ =	shalt  }
0x45: {  	_ =	shalt  }
0x46: {  	_ =	shalt  }
0x47: {  	_ =	shalt  }
0x48: {  	_ =	shalt  }
0x49: {  	_ =	shalt  }
0x4a: {  	_ =	shalt  }
0x4b: {  	_ =	shalt  }
0x4c: {  	_ =	shalt  }
0x4d: {  	_ =	shalt  }
0x4e: {  	_ =	shalt  }
0x4f: {  	_ =	shalt  }
0x50: {  	_ =	shalt  }
0x51: {  	_ =	shalt  }
0x52: {  	_ =	shalt  }
0x53: {  	_ =	shalt  }
0x54: {  	_ =	shalt  }
0x55: {  	_ =	shalt  }
0x56: {  	_ =	shalt  }
0x57: {  	_ =	shalt  }
0x58: {  	_ =	shalt  }
0x59: {  	_ =	shalt  }
0x5a: {  	_ =	shalt  }
0x5b: {  	_ =	shalt  }
0x5c: {  	_ =	shalt  }
0x5d: {  	_ =	shalt  }
0x5e: {  	_ =	shalt  }
0x5f: {  	_ =	shalt  }
0x60: {  	_ =	shalt  }
0x61: {  	_ =	shalt  }
0x62: {  	_ =	shalt  }
0x63: {  	_ =	shalt  }
0x64: {  	_ =	shalt  }
0x65: {  	_ =	shalt  }
0x66: {  	_ =	shalt  }
0x67: {  	_ =	shalt  }
0x68: {  	_ =	shalt  }
0x69: {  	_ =	shalt  }
0x6a: {  	_ =	shalt  }
0x6b: {  	_ =	shalt  }
0x6c: {  	_ =	shalt  }
0x6d: {  	_ =	shalt  }
0x6e: {  	_ =	shalt  }
0x6f: {  	_ =	shalt  }
0x70: {  	_ =	shalt  }
0x71: {  	_ =	shalt  }
0x72: {  	_ =	shalt  }
0x73: {  	_ =	shalt  }
0x74: {  	_ =	shalt  }
0x75: {  	_ =	shalt  }
0x76: {  	_ =	shalt  }
0x77: {  	_ =	shalt  }
0x78: {  	_ =	shalt  }
0x79: {  	_ =	shalt  }
0x7a: {  	_ =	shalt  }
0x7b: {  	_ =	shalt  }
0x7c: {  	_ =	shalt  }
0x7d: {  	_ =	shalt  }
0x7e: {  	_ =	shalt  }
0x7f: {  	_ =	shalt  }
0x80: {  	_ =	shalt  }
0x81: {  	_ =	shalt  }
0x82: {  	_ =	shalt  }
0x83: {  	_ =	shalt  }
0x84: {  	_ =	shalt  }
0x85: {  	_ =	shalt  }
0x86: {  	_ =	shalt  }
0x87: {  	_ =	shalt  }
.Lfunc_end0:
.L_simem_size_0:
called_computation_lowered:
.L_overlay_start_0:
0x88: {  	s0 =	sld [smem:$0x3FD9]  }
0x89: {  	s1 =	sld [smem:$0x3FFE];
	_ =	sdelay $0x3  }
0x8a: {  	s0 =	sadd.s32 s1, s0  }
0x8b: {  	[smem:$0x3FC7] =	sst s0  }
0x8c: {  	_ = 	snop  }
0x8d: {  	s0 =	sld [smem:$0x3FC9]  }
0x8e: {  	s16 =	sld [smem:$0x3FD0];
	(tm) =	ssettm $0x1  }
0x8f: {  	s2 =	sld [smem:$0x3FFB];
	_ =	sdelay $0x3  }
0x90: {  	_ =	strace s2  }
0x91: {  	s2 =	sld [smem:$0x3FFC];
	_ =	sdelay $0x3  }
0x92: {  	_ =	strace s2  }
0x93: {  	s2 =	sld [smem:$0x3FFD];
	_ =	sdelay $0x3  }
0x94: {  	_ =	strace s2  }
0x95: {  	_ =	strace $0x8FFFFFFF  }
0x96: {  	s17 =	sld [smem:$0x3FDB];
	_ =	sdelay $0x1  }
0x97: {  	s3 =	simm.s32 $_scs_section_size  }
0x98: {  	s4 =	simm.s32 $_size__tile_overlayer_lowered;
	s5 =	simm.s32 $_tile_overlayer_lowered  }
0x99: {  	s20 =	simm.s32 $0x1BFF;
	s19 =	sshll.u32 s5, $0x1;
	s2 =	sadd.s32 s3, s17  }
0x9a: {  	s6 =	simm.s32 $0x0;
	s18 =	sshll.u32 s4, $0x1;
	s4 =	sadd.s32 s19, s2  }
0x9b: {  	[timem:s6], [sflag:s20] =	dma.local [hbm:s4], s18  }
0x9c: {  	_ =	swait.ge [sflag:s20], s18  }
0x9d: {  	s3 =	ssub.s32 $0x0, s18;
	[sflag:s20] =	ssyncset.done $0x0  }
0x9e: {  	[sflag:s20] =	ssyncadd.s32 s3;
	_ =	sdelay $0x1  }
0x9f: {  	s21 =	simm.s32 $0x1B8B  }
0xa0: {  	_ =	swait.ge [sflag:s21], $0x1  }
0xa1: {  	[sflag:s21] =	ssyncset.done $0x0  }
0xa2: {  	s23 =	simm.s32 $0x1B8E;
	s22 =	sld [smem:$0x3FFE];
	[sflag:s21] =	ssyncadd.s32 $0xFFFFFFFF  }
0xa3: {  	s24 =	simm.s32 $execute0_lowered;
	[smem:$0x3FD2] =	sst s23  }
0xa4: {  	s4 =	sshll.u32 s24, $0x1;
	_ =	strace $0x80000046;
	[dreg:$0x1] =	wrdreg $0xFFFFFFFF  }
0xa5: {  	s25 =	simm.s32 $_size_execute0_lowered;
	s2 =	sadd.s32 s2, s4;
	[dreg:$0x0] =	wrdreg $0x0  }
0xa6: {  	s4 =	sshll.u32 s25, $0x1;
	[dreg:$0x2] =	wrdreg s2  }
0xa7: {  	[dreg:$0x3] =	wrdreg s4  }
0xa8: {  	[dreg:$0x4] =	wrdreg $0xC0  }
0xa9: {  	_ =	task [dreg:s6], $0x5FFFF  }
0xaa: {  	[dreg:$0x1] =	wrdreg $0xFFFFFFFF  }
0xab: {  	[dreg:$0x0] =	wrdreg $0x60  }
0xac: {  	[dreg:$0x2] =	wrdreg s0  }
0xad: {  	[dreg:$0x3] =	wrdreg s22  }
0xae: {  	[dreg:$0x4] =	wrdreg s16  }
0xaf: {  	[dreg:$0x5] =	wrdreg $0x9  }
0xb0: {  	_ =	task.clear_ibuf [dreg:s6], $0x6FFFF;
	_ =	strace $0x90000046  }
0xb1: {  	s26 =	simm.s32 $0x9;
	_ =	strace $0x80000048  }
0xb2: {  	_ =	swait.ge [sflag:s26], $0x1  }
0xb3: {  	[sflag:s26] =	ssyncadd.s32 $0xFFFFFFFF  }
0xb4: {  	_ =	strace $0x90000048  }
0xb5: {  	_ =	sfence  }
0xb6: {  	s28 =	sld [smem:$0x0];
	_ =	sdelay $0x1  }
0xb7: {  	s29 =	srdreg.scid  }
0xb8: {  	s30 =	sshll.u32 s29, $0xD;
	s31 =	sshrl.u32 s29, $0x2  }
0xb9: {  	s1 =	sand.u32 $0x1, s29;
	s2 =	sand.u32 $0x4000, s30;
	s0 =	sadd.s32 s31, s28  }
0xba: {  	s1 =	sor.u32 s2, s1;
	s0 =	sshll.u32 s0, $0x11  }
0xbb: {  	s0 =	sor.u32 s0, s1  }
0xbc: {  	s0 =	sadd.s32 $0x8F2B, s0  }
0xbd: {  	[sflag:s0] =	ssyncadd.remote.s32 $0x1  }
0xbe: {  	_ =	sfence.sel $0xFFFF  }
0xbf: {  	[dreg:$0x0] =	wrdreg $0xFFFFFFFF;
	(pc) =	sbr.abs _section_cstart, $3  }
0xc0: {  	[dreg:$0x1] =	wrdreg $0xFFFFFFFF  }
0xc1: {  	_ =	task.clear_ibuf [dreg:s6], $0x2FFFF;
	_ =	strace $0x9FFFFFFF  }
0xc2: {  	(tm) =	ssettm $0x7FFFFFFF  }
0xc3: {  	_ =	shalt  }
tec
execute0_lowered:
.L_overlay_start_1:
0x0: {  	(tag) =	ssettag $0x1  }
0x1: {  	s3 =	rddreg [dreg:$0x0]  }
0x2: {  	s4 =	rddreg [dreg:$0x1]  }
0x3: {  	s1 =	rddreg [dreg:$0x2];
	s2 =	stileid.u32  }
0x4: {  	s0 =	rddreg [dreg:$0x3];
	_ =	strace $0x80000047;
	p0 =	sne.s32 s2, $0x0  }
0x5: {  	_ =	sfence.sel @p0 $0x180000  }
0x6: {  	[bflag:$0x0] =	sbarrier.arrive @p0 $0xFFFF  }
0x7: {  	_ =	strace @p0 $0x90000047  }
0x8: {  	[bflag:$0x2] =	sbarrier.arrive @p0 $0xFFFF  }
0x9: {  	_ =	shalt @p0  }
.LBB2_1:
0xa: {  	s2 =	simm.s32 $0x0  }
0xb: {  	[tilespmem:s2], [sflag:$0x1] =	stream.linear.gather [hbm4b:s3+s2], $0x4000, $0x38;
	[tilespmem:$0x8180] =	vst v63  }
0xc: {  	s4 =	sadd.s32 $0x400, s4;
	s24 =	simm.s32 $0x4000;
	v0 =	vimm.s32 $0x2000;
	s25 =	simm.s32 $0x1  }
0xd: {  	[tilespmem:s24], [sflag:$0x2] =	stream.linear.gather [hbm4b:s4+s2], $0x4080, $0x38;
	[tilespmem:$0x8180] =	vst v63  }
0xe: {  	_ =	swait.ge [sflag:s25], $0x4000  }
0xf: {  	[sflag:s25] =	ssyncset.done $0x0  }
0x10: {  	[sflag:s25] =	ssyncadd.s32 $0xFFFFC000  }
0x11: {  	v1 =	vld.idx.msk [tilespmem:v0+s2+$0x0], $0xffff;
	_ =	sdelay $0x3  }
0x12: {  	v2 =	vlaneseq.u32  }
0x13: {  	v36 =	vimm.s32 $0x1000;
	vm0 =	vlt.s32 v1, v2  }
0x14: {  	v1 =	vsel vm0, $0x3000, v36;
	_ =	sdelay $0x4  }
0x15: {  	v3 =	vld.idx.msk [tilespmem:v1+s2+$0x0], $0xffff;
	_ =	sdelay $0x4  }
0x16: {  	v4 =	vimm.s32 $0x0;
	v0 =	vsel vm0, $0x4000, v0;
	vm1 =	vlt.s32 v3, v2  }
0x17: {  	v37 =	vsel vm0, $0x2001, v4;
	v5 =	vor.u32 $0x1, v1;
	v0 =	vsel vm1, v0, v1  }
0x18: {  	v38 =	vsel vm1, v5, v37;
	v39 =	vadd.s32 $0xFFFFFFFF, v0  }
0x19: {  	v5 =	vxor.u32 v39, v38  }
0x1a: {  	v3 =	vor.u32 v39, v38;
	v5 =	vshrl.u32 v5, $0x1  }
0x1b: {  	v3 =	vsub.s32 v3, v5;
	_ =	sdelay $0x4  }
0x1c: {  	v5 =	vld.idx.msk [tilespmem:v3+s2+$0x0], $0xffff;
	_ =	sdelay $0x4  }
0x1d: {  	v40 =	vor.u32 $0x1, v3;
	vm4 =	vlt.s32 v5, v2  }
0x1e: {  	v1 =	vsel vm4, v40, v38;
	v0 =	vsel vm4, v0, v3  }
0x1f: {  	v3 =	vxor.u32 v0, v1  }
0x20: {  	v5 =	vand.u32 v0, v1;
	v3 =	vshrl.u32 v3, $0x1  }
0x21: {  	v3 =	vadd.s32 v3, v5;
	_ =	sdelay $0x4  }
0x22: {  	v5 =	vld.idx.msk [tilespmem:v3+s2+$0x0], $0xffff;
	_ =	sdelay $0x4  }
0x23: {  	v41 =	vadd.s32 $0x1, v3;
	vm5 =	vlt.s32 v5, v2  }
0x24: {  	v1 =	vsel vm5, v41, v1;
	v0 =	vsel vm5, v0, v3  }
0x25: {  	v3 =	vadd.s32 v0, v1  }
0x26: {  	v3 =	vshrl.u32 v3, $0x1;
	_ =	sdelay $0x4  }
0x27: {  	v42 =	vld.idx.msk [tilespmem:v3+s2+$0x0], $0xffff;
	_ =	sdelay $0x4  }
0x28: {  	v43 =	vadd.s32 $0x1, v3;
	vm6 =	vlt.s32 v42, v2  }
0x29: {  	v1 =	vsel vm6, v43, v1;
	v0 =	vsel vm6, v0, v3  }
0x2a: {  	v3 =	vadd.s32 v0, v1  }
0x2b: {  	v3 =	vshrl.u32 v3, $0x1;
	_ =	sdelay $0x4  }
0x2c: {  	v44 =	vld.idx.msk [tilespmem:v3+s2+$0x0], $0xffff;
	_ =	sdelay $0x4  }
0x2d: {  	v45 =	vadd.s32 $0x1, v3;
	vm7 =	vlt.s32 v44, v2  }
0x2e: {  	v1 =	vsel vm7, v45, v1;
	v0 =	vsel vm7, v0, v3  }
0x2f: {  	v3 =	vadd.s32 v0, v1  }
0x30: {  	v3 =	vshrl.u32 v3, $0x1;
	_ =	sdelay $0x4  }
0x31: {  	v46 =	vld.idx.msk [tilespmem:v3+s2+$0x0], $0xffff;
	_ =	sdelay $0x4  }
0x32: {  	v47 =	vadd.s32 $0x1, v3;
	vm8 =	vlt.s32 v46, v2  }
0x33: {  	v1 =	vsel vm8, v47, v1;
	v0 =	vsel vm8, v0, v3  }
0x34: {  	v3 =	vadd.s32 v0, v1  }
0x35: {  	v3 =	vshrl.u32 v3, $0x1;
	_ =	sdelay $0x4  }
0x36: {  	v48 =	vld.idx.msk [tilespmem:v3+s2+$0x0], $0xffff;
	_ =	sdelay $0x4  }
0x37: {  	v49 =	vadd.s32 $0x1, v3;
	vm9 =	vlt.s32 v48, v2  }
0x38: {  	v1 =	vsel vm9, v49, v1;
	v0 =	vsel vm9, v0, v3  }
0x39: {  	v3 =	vadd.s32 v0, v1  }
0x3a: {  	v3 =	vshrl.u32 v3, $0x1;
	_ =	sdelay $0x4  }
0x3b: {  	v50 =	vld.idx.msk [tilespmem:v3+s2+$0x0], $0xffff;
	_ =	sdelay $0x4  }
0x3c: {  	v51 =	vadd.s32 $0x1, v3;
	vm10 =	vlt.s32 v50, v2  }
0x3d: {  	v1 =	vsel vm10, v51, v1;
	v0 =	vsel vm10, v0, v3  }
0x3e: {  	v3 =	vadd.s32 v0, v1  }
0x3f: {  	v3 =	vshrl.u32 v3, $0x1;
	_ =	sdelay $0x4  }
0x40: {  	v52 =	vld.idx.msk [tilespmem:v3+s2+$0x0], $0xffff;
	_ =	sdelay $0x4  }
0x41: {  	v53 =	vadd.s32 $0x1, v3;
	vm11 =	vlt.s32 v52, v2  }
0x42: {  	v1 =	vsel vm11, v53, v1;
	v0 =	vsel vm11, v0, v3  }
0x43: {  	v3 =	vadd.s32 v0, v1  }
0x44: {  	v3 =	vshrl.u32 v3, $0x1;
	_ =	sdelay $0x4  }
0x45: {  	v54 =	vld.idx.msk [tilespmem:v3+s2+$0x0], $0xffff;
	_ =	sdelay $0x4  }
0x46: {  	v55 =	vadd.s32 $0x1, v3;
	vm12 =	vlt.s32 v54, v2  }
0x47: {  	v1 =	vsel vm12, v55, v1;
	v0 =	vsel vm12, v0, v3  }
0x48: {  	v3 =	vadd.s32 v0, v1  }
0x49: {  	v3 =	vshrl.u32 v3, $0x1;
	_ =	sdelay $0x4  }
0x4a: {  	v56 =	vld.idx.msk [tilespmem:v3+s2+$0x0], $0xffff;
	_ =	sdelay $0x4  }
0x4b: {  	v57 =	vadd.s32 $0x1, v3;
	vm13 =	vlt.s32 v56, v2  }
0x4c: {  	v1 =	vsel vm13, v57, v1;
	v0 =	vsel vm13, v0, v3  }
0x4d: {  	v3 =	vadd.s32 v0, v1  }
0x4e: {  	v3 =	vshrl.u32 v3, $0x1;
	_ =	sdelay $0x4  }
0x4f: {  	v58 =	vld.idx.msk [tilespmem:v3+s2+$0x0], $0xffff;
	_ =	sdelay $0x4  }
0x50: {  	v59 =	vadd.s32 $0x1, v3;
	vm14 =	vlt.s32 v58, v2  }
0x51: {  	v1 =	vsel vm14, v59, v1;
	v0 =	vsel vm14, v0, v3  }
0x52: {  	v0 =	vadd.s32 v0, v1  }
0x53: {  	v0 =	vshrl.u32 v0, $0x1;
	_ =	sdelay $0x4  }
0x54: {  	v60 =	vld.idx.msk [tilespmem:v0+s2+$0x0], $0xffff;
	_ =	sdelay $0x4  }
0x55: {  	vm15 =	vlt.s32 v60, v2;
	v2 =	vadd.s32 $0x1, v2  }
0x56: {  	v0 =	vadd.s32 $0x1, v0  }
0x57: {  	v0 =	vsel vm15, v0, v1  }
0x58: {  	[tilespmem:$0x8090] =	vst v4;
	v0 =	vsub.s32 $0x4000, v0  }
0x59: {  	s26 =	simm.s32 $0x8080;
	[tilespmem:$0x8080] =	vst v0  }
0x5a: {  	v61 =	vld.idx.msk [tilespmem:v2+s26+$0x0], $0xffff;
	_ =	sdelay $0x4  }
0x5b: {  	v0 =	vsub.s32 v0, v61  }
0x5c: {  	s28 =	simm.s32 $0x2;
	v1 =	vsub.s32 $0x0, v0  }
0x5d: {  	_ =	swait.ge [sflag:s28], $0x4080;
	v1 =	vshra.s32 v1, $0x1F  }
0x5e: {  	(xrf0) =	vadd.scan.msk.s32 $0xffff, v1;
	_ =	sdelay $0x5  }
0x5f: {  	v1, _, _ =	vpop (xrf0)  }
0x60: {  	(v2sf) =	vpush v1, $0xF;
	_ =	sdelay $0x4  }
0x61: {  	[sflag:s28] =	ssyncset.done $0x0  }
0x62: {  	[sflag:s28] =	ssyncadd.s32 $0xFFFFBF80  }
0x63: {  	v0 =	vld.idx.msk [tilespmem:v0+s24+$0x0], $0xffff;
	_ =	sdelay $0x4  }
0x64: {  	(xrf2) =	vadd.scan.msk.f32 $0xffff, v0;
	_ =	sdelay $0x2  }
0x65: {  	s29 =	spop (v2sf)  }
0x66: {  	s4 =	ssub.s32 $0x4000, s29  }
0x67: {  	v62 =	vmov s4;
	_ =	sdelay $0x4  }
0x68: {  	v63, _, _ =	vpop (xrf2);
	v0 =	vld.idx.msk [tilespmem:v62+s24+$0x0], $0xffff  }
0x69: {  	v1 =	vadd.f32 $0.0e+00, v63;
	_ =	sdelay $0x1  }
0x6a: {  	v1 =	vbroadcast v1, $0xF;
	_ =	sdelay $0x1  }
0x6b: {  	v0 =	vmul.f32 v1, v0;
	_ =	sdelay $0x1  }
0x6c: {  	s30 =	simm.s32 $0x8100;
	s31 =	simm.s32 $0x3;
	[tilespmem:$0x8100] =	vst v0  }
0x6d: {  	[hbm4b:s1+s2] =	stream.linear.scatter [tilespmem:s30], [sflag:$0x3], $0x80, $0x38;
	[tilespmem:$0x8180] =	vst v63  }
0x6e: {  	_ =	swait.ge [sflag:s31], $0x80  }
0x6f: {  	[sflag:s31] =	ssyncset.done $0x0  }
0x70: {  	[sflag:s31] =	ssyncadd.s32 $0xFFFFFF80  }
0x71: {  	_ =	sfence.sel $0x180000  }
0x72: {  	[bflag:$0x0] =	sbarrier.arrive $0xFFFF  }
0x73: {  	_ =	strace $0x90000047  }
0x74: {  	s0 =	sadd.s32 $0x100000, s0;
	[bflag:$0x2] =	sbarrier.arrive $0xFFFF  }
0x75: {  	[sflag:s0] =	ssyncadd.tile.s32 $0x1;
	_ =	shalt  }
.Lfunc_end2:
_tile_overlayer_lowered:
.L_overlay_start_2:
0x76: {  	(tag) =	ssettag $0x2  }
0x77: {  	s0 =	rddreg [dreg:$0x0];
	s2 =	stileid.u32  }
0x78: {  	s1 =	rddreg [dreg:$0x1];
	p0 =	sne.s32 s2, $0x0  }
0x79: {  	s3 =	rddreg [dreg:$0x2];
	[bflag:$0x3] =	sbarrier.arrive $0xFFFF;
	s2 =	simm.s32 @!p0 $0x1C03  }
0x7a: {  	[timem:s3], [sflag:s2] =	dma.local @!p0 [hbm:s0], s1  }
0x7b: {  	s0 =	simm.s32 @!p0 $0x3  }
0x7c: {  	_ =	swait.ge @!p0 [sflag:s0], s1  }
0x7d: {  	s1 =	ssub.s32 @!p0 $0x0, s1;
	[sflag:s0] =	ssyncset.done @!p0 $0x0  }
0x7e: {  	[sflag:s0] =	ssyncadd.s32 @!p0 s1  }
0x7f: {  	[bflag:$0x3] =	sbarrier.arrive $0xFFFF  }
0x80: {  	_ =	shalt  }

</sc_bundles>
